<compile_context>
chip_gen: v7x
topology: tpu7x:2x2x1
jax: 0.10.2.dev20260603
libtpu: 0.0.44.dev20260713+nightly
codegen_flags: <defaults>
</compile_context>

<pallas_src>
import functools

import jax
import jax.numpy as jnp
from jax import lax
from jax.experimental import pallas as pl
from jax.experimental.pallas import tpu as pltpu
from jax.experimental.pallas import tpu_sc as plsc

B = 4096
S = 4096
D = 512
E = 128
H = 256
ALPHA = 0.1

BB = 1024
BR = 1024
SB = 1024
NB = B // BB
NR = B // BR
NS = S // SB

_F32 = jnp.float32
_BF16 = jnp.bfloat16


def _dot(a, b, dims):
    return jax.lax.dot_general(a, b, (dims, ((), ())),
                               preferred_element_type=_F32,
                               precision=jax.lax.Precision.DEFAULT)


def _iota(shape, dim):
    return jax.lax.broadcasted_iota(jnp.int32, shape, dim)


def _route_body(x_ref, c_ref, best_ref, cn_ref):
    i = pl.program_id(0)

    @pl.when(i == 0)
    def _init():
        c = c_ref[:]
        norm = jnp.sqrt(jnp.sum(c * c, axis=1, keepdims=True))
        cn_ref[:] = (c / (norm + 1e-8)).astype(_BF16)

    x = x_ref[:]
    xn = x / (jnp.sqrt(jnp.sum(x * x, axis=1, keepdims=True)) + 1e-8)
    sim = _dot(xn.astype(_BF16), cn_ref[:], ((1,), (1,)))
    m = jnp.max(sim, axis=1, keepdims=True)
    cand = jnp.where(sim == m, _iota((BR, S), 1), S)
    best_ref[:] = jnp.min(cand, axis=1, keepdims=True)


def _route(x, centroids):
    return pl.pallas_call(
        _route_body,
        grid=(NR,),
        in_specs=[
            pl.BlockSpec((BR, D), lambda i: (i, 0)),
            pl.BlockSpec((S, D), lambda i: (0, 0)),
        ],
        out_specs=pl.BlockSpec((BR, 1), lambda i: (i, 0)),
        out_shape=jax.ShapeDtypeStruct((B, 1), jnp.int32),
        scratch_shapes=[pltpu.VMEM((S, D), _BF16)],
    )(x, centroids)


def _sc_gather(slot_emb, best_flat):
    mesh = plsc.VectorSubcoreMesh(core_axis_name="c", subcore_axis_name="s")

    @functools.partial(
        pl.kernel, mesh=mesh,
        out_type=jax.ShapeDtypeStruct((B, E), _F32),
        scratch_types=[
            pltpu.VMEM((128,), jnp.int32),
            pltpu.VMEM((128, E), _F32),
        ],
    )
    def k(se_hbm, best_hbm, emb_hbm, idxv, embv):
        c = lax.axis_index("c")
        s = lax.axis_index("s")
        base = (s * 2 + c) * 128
        pltpu.sync_copy(best_hbm.at[pl.ds(base, 128)], idxv)
        pltpu.sync_copy(se_hbm.at[idxv], embv)
        pltpu.sync_copy(embv, emb_hbm.at[pl.ds(base, 128)])

    return k(slot_emb, best_flat)


def _update_body(best_ref, xb_ref, c_ref, nc_ref):
    j = pl.program_id(0)
    best = best_ref[:]
    onehot = ((best - j * SB) == _iota((B, SB), 1)).astype(_BF16)
    sums = _dot(onehot, xb_ref[:], ((0,), (0,)))
    counts_row = jnp.sum(onehot.astype(_F32), axis=0, keepdims=True)
    diag = _iota((SB, SB), 0) == _iota((SB, SB), 1)
    counts = jnp.sum(jnp.where(diag, counts_row, 0.0),
                     axis=1, keepdims=True)
    mean = sums / jnp.maximum(counts, 1.0)
    c = c_ref[:]
    nc_ref[:] = jnp.where(counts > 0.0,
                          (1.0 - ALPHA) * c + ALPHA * mean, c).astype(_BF16)


def _update(best, x_bf, centroids):
    return pl.pallas_call(
        _update_body,
        grid=(NS,),
        in_specs=[
            pl.BlockSpec((B, 1), lambda j: (0, 0)),
            pl.BlockSpec((B, D), lambda j: (0, 0)),
            pl.BlockSpec((SB, D), lambda j: (j, 0)),
        ],
        out_specs=pl.BlockSpec((SB, D), lambda j: (j, 0)),
        out_shape=jax.ShapeDtypeStruct((S, D), _BF16),
    )(best, x_bf, centroids)


def _mlp_body(xb_ref, best_ref, emb_ref, nc_ref, w1a_ref, w1b_ref, b1_ref,
              g_ref, be_ref, w2_ref, b2_ref, out_ref):
    xb = xb_ref[:]
    onehot = (best_ref[:] == _iota((BB, S), 1)).astype(_BF16)

    h = (_dot(xb, w1a_ref[:], ((1,), (0,)))
         + _dot(emb_ref[:].astype(_BF16), w1b_ref[:], ((1,), (0,)))
         + b1_ref[:])
    mu = jnp.mean(h, axis=-1, keepdims=True)
    var = jnp.mean((h - mu) * (h - mu), axis=-1, keepdims=True)
    h = (h - mu) / jnp.sqrt(var + 1e-5) * g_ref[:] + be_ref[:]
    h = jnp.maximum(h, 0.0)

    logits = _dot(h.astype(_BF16), w2_ref[:], ((1,), (0,))) + b2_ref[:]
    e = jnp.exp(logits)
    p = e / jnp.sum(e, axis=-1, keepdims=True)

    out_ref[:] = _dot(p.astype(_BF16) + onehot, nc_ref[:], ((1,), (0,)))


def _mlp(x_bf, best, emb, nc, w1a, w1b, b1, gamma, beta, w2, b2):
    row = lambda v: v.reshape(1, -1)
    return pl.pallas_call(
        _mlp_body,
        grid=(NB,),
        in_specs=[
            pl.BlockSpec((BB, D), lambda i: (i, 0)),
            pl.BlockSpec((BB, 1), lambda i: (i, 0)),
            pl.BlockSpec((BB, E), lambda i: (i, 0)),
            pl.BlockSpec((S, D), lambda i: (0, 0)),
            pl.BlockSpec((D, H), lambda i: (0, 0)),
            pl.BlockSpec((E, H), lambda i: (0, 0)),
            pl.BlockSpec((1, H), lambda i: (0, 0)),
            pl.BlockSpec((1, H), lambda i: (0, 0)),
            pl.BlockSpec((1, H), lambda i: (0, 0)),
            pl.BlockSpec((H, S), lambda i: (0, 0)),
            pl.BlockSpec((1, S), lambda i: (0, 0)),
        ],
        out_specs=pl.BlockSpec((BB, D), lambda i: (i, 0)),
        out_shape=jax.ShapeDtypeStruct((B, D), _F32),
    )(x_bf, best, emb, nc, w1a, w1b, row(b1), row(gamma), row(beta),
      w2, row(b2))


def kernel(x, centroids, slot_emb, W1, b1, gamma, beta, W2, b2):
    x_bf = x.astype(_BF16)
    w1a = W1[:D].astype(_BF16)
    w1b = W1[D:].astype(_BF16)
    w2 = W2.astype(_BF16)
    best = _route(x, centroids)
    emb = _sc_gather(slot_emb, best.reshape(B))
    nc = _update(best, x_bf, centroids)
    return _mlp(x_bf, best, emb, nc, w1a, w1b, b1, gamma, beta, w2, b2)

# --- scband reference (transcript-rebuilt; emitter-appended) ---
"""Pipeline reference for scband-centroid-memory-manager-83734682403032 (READ-ONLY COPY).

The authoritative reference and input builder live on the scoring server;
editing this copy changes nothing except your own understanding.
"""

import jax, jax.numpy as jnp
import numpy as np

NUM_SLOTS = 4096
SLOT_DIM = 512
EMBED_DIM = SLOT_DIM // 4   # 128
INPUT_DIM = SLOT_DIM + EMBED_DIM  # 640
HIDDEN = SLOT_DIM // 2      # 256 (linker_hidden = slot_dim // 2)
BATCH = 4096
ALPHA = 0.1


def _layernorm(h, gamma, beta, eps=1e-5):
    mu = jnp.mean(h, axis=-1, keepdims=True)
    var = jnp.var(h, axis=-1, keepdims=True)
    return (h - mu) / jnp.sqrt(var + eps) * gamma + beta


def setup_inputs(seed: int = 0) -> dict:
    key = jax.random.key(seed)
    ks = jax.random.split(key, 8)
    x = jax.random.normal(ks[0], (BATCH, SLOT_DIM), dtype=jnp.float32)
    centroids = jax.random.normal(ks[1], (NUM_SLOTS, SLOT_DIM), dtype=jnp.float32) * 0.02
    slot_emb = jax.random.normal(ks[2], (NUM_SLOTS, EMBED_DIM), dtype=jnp.float32) * 0.1
    # xavier_uniform with gain=0.1 approx
    lim1 = 0.1 * np.sqrt(6.0 / (INPUT_DIM + HIDDEN))
    W1 = jax.random.uniform(ks[3], (INPUT_DIM, HIDDEN), dtype=jnp.float32, minval=-lim1, maxval=lim1)
    b1 = jnp.zeros((HIDDEN,), dtype=jnp.float32)
    gamma = jnp.ones((HIDDEN,), dtype=jnp.float32)
    beta = jnp.zeros((HIDDEN,), dtype=jnp.float32)
    lim2 = 0.1 * np.sqrt(6.0 / (HIDDEN + NUM_SLOTS))
    W2 = jax.random.uniform(ks[4], (HIDDEN, NUM_SLOTS), dtype=jnp.float32, minval=-lim2, maxval=lim2)
    b2 = jnp.zeros((NUM_SLOTS,), dtype=jnp.float32)
    return {"x": x, "centroids": centroids, "slot_emb": slot_emb,
            "W1": W1, "b1": b1, "gamma": gamma, "beta": beta, "W2": W2, "b2": b2}


def reference(x, centroids, slot_emb, W1, b1, gamma, beta, W2, b2):
    # 1) route each vector to its most similar slot (cosine similarity)
    xn = x / (jnp.linalg.norm(x, axis=-1, keepdims=True) + 1e-8)
    cn = centroids / (jnp.linalg.norm(centroids, axis=-1, keepdims=True) + 1e-8)
    sim = xn @ cn.T                                  # [B, S]
    best = jnp.argmax(sim, axis=1)                   # [B] slot indices

    # 2) scatter write: EMA update of centroids with per-slot mean of routed vectors
    counts = jax.ops.segment_sum(jnp.ones((x.shape[0],), dtype=x.dtype), best,
                                 num_segments=NUM_SLOTS)          # [S]
    sums = jax.ops.segment_sum(x, best, num_segments=NUM_SLOTS)   # [S, d]
    mean = sums / jnp.maximum(counts, 1.0)[:, None]
    written = (counts > 0)[:, None]
    new_centroids = jnp.where(written, (1.0 - ALPHA) * centroids + ALPHA * mean, centroids)

    # 3) gather updated memory at assigned slots
    retrieved = jnp.take(new_centroids, best, axis=0)             # [B, d]

    # 4) NeuralLinker: predict next slot from (x, slot_embedding[best])
    emb = jnp.take(slot_emb, best, axis=0)                        # [B, e]
    h = jnp.concatenate([x, emb], axis=-1) @ W1 + b1
    h = jax.nn.relu(_layernorm(h, gamma, beta))
    logits = h @ W2 + b2                                          # [B, S]

    # 5) soft mixture read over updated memory
    mix = jax.nn.softmax(logits, axis=-1) @ new_centroids         # [B, d]
    return retrieved + mix

if __name__ == "__main__":
    import jax
    _d = setup_inputs()
    print(jax.jit(kernel)(*tuple(_d.values())))

</pallas_src>

<mosaic_0001>
#map = affine_map<(d0, d1) -> (0, 0)>
#map1 = affine_map<(d0, d1) -> (0)>
module attributes {stable_mosaic.version = 14 : i64} {
  func.func @k(%arg0: i32, %arg1: i32, %arg2: memref<4096x128xf32, #tpu.memory_space<hbm>>, %arg3: memref<4096xi32, #tpu.memory_space<hbm>>, %arg4: memref<4096x128xf32, #tpu.memory_space<hbm>>, %arg5: memref<128xi32, #tpu.memory_space<vmem>>, %arg6: memref<128x128xf32, #tpu.memory_space<vmem>>) attributes {dimension_semantics = [#tpu.dimension_semantics<core_parallel>, #tpu.dimension_semantics<subcore_parallel>], iteration_bounds = array<i64: 2, 16>, scalar_prefetch = 0 : i64, scratch_operands = 2 : i64, tpu.core_type = #tpu.core_type<sc_vector_subcore>, window_params = [{transform_indices = #map}, {transform_indices = #map1}, {transform_indices = #map}]} {
    %mul3A = arith.constant 2 : i32
    %mul3A_0 = arith.muli %arg1, %mul3A : i32
    %add3A = arith.addi %mul3A_0, %arg0 : i32
    %mul3A_1 = arith.constant 128 : i32
    %mul3A_2 = arith.muli %add3A, %mul3A_1 : i32
    "tpu.region"() ({
      %run_scoped3A = tpu.sem_alloc : memref<!tpu.dma_semaphore, #tpu.memory_space<semaphore_mem>>
      %dma_start3A = tpu.memref_slice %arg3[%mul3A_2] : memref<4096xi32, #tpu.memory_space<hbm>> -> memref<128xi32, #tpu.memory_space<hbm>>
      %dma_start3A_3 = tpu.memref_slice %arg3[%mul3A_2] : memref<4096xi32, #tpu.memory_space<hbm>> -> memref<128xi32, #tpu.memory_space<hbm>>
      tpu.enqueue_dma source(%dma_start3A_3 : memref<128xi32, #tpu.memory_space<hbm>>) target(%arg5 : memref<128xi32, #tpu.memory_space<vmem>>) target_semaphore(%run_scoped3A : memref<!tpu.dma_semaphore, #tpu.memory_space<semaphore_mem>>)
      %dma_wait3A = tpu.memref_slice %arg3[%mul3A_2] : memref<4096xi32, #tpu.memory_space<hbm>> -> memref<128xi32, #tpu.memory_space<hbm>>
      %dma_wait3A_4 = tpu.memref_slice %arg3[%mul3A_2] : memref<4096xi32, #tpu.memory_space<hbm>> -> memref<128xi32, #tpu.memory_space<hbm>>
      tpu.wait_dma2 semaphore(%run_scoped3A : memref<!tpu.dma_semaphore, #tpu.memory_space<semaphore_mem>>) src(%dma_wait3A_4 : memref<128xi32, #tpu.memory_space<hbm>>) dst(%arg5 : memref<128xi32, #tpu.memory_space<vmem>>)
      tpu.yield
    }) : () -> ()
    "tpu.region"() ({
      %run_scoped3A = tpu.sem_alloc : memref<!tpu.dma_semaphore, #tpu.memory_space<semaphore_mem>>
      %dma_start3A = arith.constant 0 : i32
      %dma_start3A_3 = arith.constant 0 : i32
      %dma_start3A_4 = tpu.memref_slice %arg2[%dma_start3A, %dma_start3A_3] : memref<4096x128xf32, #tpu.memory_space<hbm>> -> memref<4096x128xf32, #tpu.memory_space<hbm>>
      tpu.enqueue_indirect_dma source(%dma_start3A_4 : memref<4096x128xf32, #tpu.memory_space<hbm>>) target(%arg6 : memref<128x128xf32, #tpu.memory_space<vmem>>) offsets(%arg5 : memref<128xi32, #tpu.memory_space<vmem>>) semaphore(%run_scoped3A : memref<!tpu.dma_semaphore, #tpu.memory_space<semaphore_mem>>)
      %dma_wait3A = arith.constant 0 : i32
      %dma_wait3A_5 = arith.constant 0 : i32
      %dma_wait3A_6 = tpu.memref_slice %arg2[%dma_wait3A, %dma_wait3A_5] : memref<4096x128xf32, #tpu.memory_space<hbm>> -> memref<4096x128xf32, #tpu.memory_space<hbm>>
      tpu.wait_indirect_dma semaphore(%run_scoped3A : memref<!tpu.dma_semaphore, #tpu.memory_space<semaphore_mem>>) src(%dma_wait3A_6 : memref<4096x128xf32, #tpu.memory_space<hbm>>) dst(%arg6 : memref<128x128xf32, #tpu.memory_space<vmem>>)
      tpu.yield
    }) : () -> ()
    "tpu.region"() ({
      %run_scoped3A = tpu.sem_alloc : memref<!tpu.dma_semaphore, #tpu.memory_space<semaphore_mem>>
      %dma_start3A = arith.constant 0 : i32
      %dma_start3A_3 = tpu.memref_slice %arg4[%mul3A_2, %dma_start3A] : memref<4096x128xf32, #tpu.memory_space<hbm>> -> memref<128x128xf32, #tpu.memory_space<hbm>>
      %dma_start3A_4 = arith.constant 0 : i32
      %dma_start3A_5 = tpu.memref_slice %arg4[%mul3A_2, %dma_start3A_4] : memref<4096x128xf32, #tpu.memory_space<hbm>> -> memref<128x128xf32, #tpu.memory_space<hbm>>
      tpu.enqueue_dma source(%arg6 : memref<128x128xf32, #tpu.memory_space<vmem>>) target(%dma_start3A_5 : memref<128x128xf32, #tpu.memory_space<hbm>>) target_semaphore(%run_scoped3A : memref<!tpu.dma_semaphore, #tpu.memory_space<semaphore_mem>>)
      %dma_wait3A = arith.constant 0 : i32
      %dma_wait3A_6 = tpu.memref_slice %arg4[%mul3A_2, %dma_wait3A] : memref<4096x128xf32, #tpu.memory_space<hbm>> -> memref<128x128xf32, #tpu.memory_space<hbm>>
      %dma_wait3A_7 = arith.constant 0 : i32
      %dma_wait3A_8 = tpu.memref_slice %arg4[%mul3A_2, %dma_wait3A_7] : memref<4096x128xf32, #tpu.memory_space<hbm>> -> memref<128x128xf32, #tpu.memory_space<hbm>>
      tpu.wait_dma2 semaphore(%run_scoped3A : memref<!tpu.dma_semaphore, #tpu.memory_space<semaphore_mem>>) src(%arg6 : memref<128x128xf32, #tpu.memory_space<vmem>>) dst(%dma_wait3A_8 : memref<128x128xf32, #tpu.memory_space<hbm>>)
      tpu.yield
    }) : () -> ()
    return
  }
}

module attributes {stable_mosaic.version = 14 : i64} {
  func.func @_route_body(%arg0: i32, %arg1: memref<1024x512xf32, #tpu.memory_space<vmem>>, %arg2: memref<4096x512xf32, #tpu.memory_space<vmem>>, %arg3: memref<1024x1xi32, #tpu.memory_space<vmem>>, %arg4: memref<4096x512xbf16, #tpu.memory_space<vmem>>) attributes {dimension_semantics = [#tpu.dimension_semantics<arbitrary>], iteration_bounds = array<i64: 4>, scalar_prefetch = 0 : i64, scratch_operands = 1 : i64, tpu.core_type = #tpu.core_type<tc>, window_params = [{transform_indices = @transform_0, window_bounds = array<i64: 1024, 512>}, {pipeline_mode = #tpu.pipeline_mode<synchronous>, transform_indices = @transform_1, window_bounds = array<i64: 4096, 512>}, {transform_indices = @transform_2, window_bounds = array<i64: 1024, 1>}]} {
    %eq3A = arith.constant 0 : i32
    %eq3A_0 = arith.cmpi eq, %arg0, %eq3A : i32
    %convert_element_type3A = arith.extui %eq3A_0 : i1 to i32
    %cond3A = arith.constant 0 : i32
    %cond3A_1 = arith.cmpi ne, %convert_element_type3A, %cond3A : i32
    scf.if %cond3A_1 {
      %get3A_22 = arith.constant 0 : index
      %get3A_23 = arith.constant 0 : index
      %get3A_24 = vector.load %arg2[%get3A_22, %get3A_23] : memref<4096x512xf32, #tpu.memory_space<vmem>>, vector<4096x512xf32>
      %mul3A_25 = arith.mulf %get3A_24, %get3A_24 : vector<4096x512xf32>
      %reduce_sum3A_26 = arith.constant dense<0.000000e+00> : vector<4096xf32>
      %reduce_sum3A_27 = vector.multi_reduction <add>, %mul3A_25, %reduce_sum3A_26 [1] : vector<4096x512xf32> to vector<4096xf32>
      %broadcast_in_dim3A_28 = vector.shape_cast %reduce_sum3A_27 : vector<4096xf32> to vector<4096x1xf32>
      %sqrt3A_29 = math.sqrt %broadcast_in_dim3A_28 : vector<4096x1xf32>
      %add3A_30 = arith.constant 9.99999993E-9 : f32
      %add3A_31 = vector.broadcast %add3A_30 : f32 to vector<4096x1xf32>
      %add3A_32 = arith.addf %sqrt3A_29, %add3A_31 : vector<4096x1xf32>
      %div3A_33 = vector.broadcast %add3A_32 : vector<4096x1xf32> to vector<4096x512xf32>
      %div3A_34 = arith.divf %get3A_24, %div3A_33 : vector<4096x512xf32>
      %convert_element_type3A_35 = arith.truncf %div3A_34 : vector<4096x512xf32> to vector<4096x512xbf16>
      %swap3A_36 = arith.constant 0 : index
      %swap3A_37 = arith.constant 0 : index
      %swap3A_38 = vector.load %arg4[%swap3A_36, %swap3A_37] : memref<4096x512xbf16, #tpu.memory_space<vmem>>, vector<4096x512xbf16>
      tpu.vector_store %arg4[%swap3A_36, %swap3A_37], %convert_element_type3A_35 {strides = array<i32>} : memref<4096x512xbf16, #tpu.memory_space<vmem>>, vector<4096x512xbf16>,
    } else {
    }
    %get3A = arith.constant 0 : index
    %get3A_2 = arith.constant 0 : index
    %get3A_3 = vector.load %arg1[%get3A, %get3A_2] : memref<1024x512xf32, #tpu.memory_space<vmem>>, vector<1024x512xf32>
    %mul3A = arith.mulf %get3A_3, %get3A_3 : vector<1024x512xf32>
    %reduce_sum3A = arith.constant dense<0.000000e+00> : vector<1024xf32>
    %reduce_sum3A_4 = vector.multi_reduction <add>, %mul3A, %reduce_sum3A [1] : vector<1024x512xf32> to vector<1024xf32>
    %broadcast_in_dim3A = vector.shape_cast %reduce_sum3A_4 : vector<1024xf32> to vector<1024x1xf32>
    %sqrt3A = math.sqrt %broadcast_in_dim3A : vector<1024x1xf32>
    %add3A = arith.constant 9.99999993E-9 : f32
    %add3A_5 = vector.broadcast %add3A : f32 to vector<1024x1xf32>
    %add3A_6 = arith.addf %sqrt3A, %add3A_5 : vector<1024x1xf32>
    %div3A = vector.broadcast %add3A_6 : vector<1024x1xf32> to vector<1024x512xf32>
    %div3A_7 = arith.divf %get3A_3, %div3A : vector<1024x512xf32>
    %convert_element_type3A_8 = arith.truncf %div3A_7 : vector<1024x512xf32> to vector<1024x512xbf16>
    %get3A_9 = arith.constant 0 : index
    %get3A_10 = arith.constant 0 : index
    %get3A_11 = vector.load %arg4[%get3A_9, %get3A_10] : memref<4096x512xbf16, #tpu.memory_space<vmem>>, vector<4096x512xbf16>
    %dot_general3A = arith.constant dense<0.000000e+00> : vector<1024x4096xf32>
    %dot_general3A_12 = tpu.matmul %convert_element_type3A_8, %get3A_11, %dot_general3A {dimension_numbers = #tpu.dot_dimension_numbers<[1], [1], [0], [0], [0, 0, 1, 0], [], []>, transpose_lhs_hint = false} : vector<1024x512xbf16>, vector<4096x512xbf16>, vector<1024x4096xf32> -> vector<1024x4096xf32>
    %reduce_max3A = arith.constant dense<0xFF800000> : vector<1024xf32>
    %reduce_max3A_13 = vector.multi_reduction <maximumf>, %dot_general3A_12, %reduce_max3A [1] : vector<1024x4096xf32> to vector<1024xf32>
    %broadcast_in_dim3A_14 = vector.shape_cast %reduce_max3A_13 : vector<1024xf32> to vector<1024x1xf32>
    %eq3A_15 = vector.broadcast %broadcast_in_dim3A_14 : vector<1024x1xf32> to vector<1024x4096xf32>
    %eq3A_16 = arith.cmpf oeq, %dot_general3A_12, %eq3A_15 : vector<1024x4096xf32>
    %iota3A = tpu.iota {dimensions = array<i32: 1>} : vector<1024x4096xi32>
    %jit3A = arith.constant 4096 : i32
    %broadcast_in_dim3A_17 = vector.broadcast %jit3A : i32 to vector<1024x4096xi32>
    %select_n3A = arith.select %eq3A_16, %iota3A, %broadcast_in_dim3A_17 : vector<1024x4096xi1>, vector<1024x4096xi32>
    %reduce_min3A = arith.constant dense<2147483647> : vector<1024xi32>
    %reduce_min3A_18 = vector.multi_reduction <minsi>, %select_n3A, %reduce_min3A [1] : vector<1024x4096xi32> to vector<1024xi32>
    %broadcast_in_dim3A_19 = vector.shape_cast %reduce_min3A_18 : vector<1024xi32> to vector<1024x1xi32>
    %swap3A = arith.constant 0 : index
    %swap3A_20 = arith.constant 0 : index
    %swap3A_21 = vector.load %arg3[%swap3A, %swap3A_20] : memref<1024x1xi32, #tpu.memory_space<vmem>>, vector<1024x1xi32>
    tpu.vector_store %arg3[%swap3A, %swap3A_20], %broadcast_in_dim3A_19 {strides = array<i32>} : memref<1024x1xi32, #tpu.memory_space<vmem>>, vector<1024x1xi32>,
    return
  }
  func.func @transform_0(%arg0: i32) -> (i32, i32) {
    %c0_i32 = arith.constant 0 : i32
    %c0_i32_0 = arith.constant 0 : i32
    return %arg0, %c0_i32 : i32, i32
  }
  func.func @transform_1(%arg0: i32) -> (i32, i32) {
    %c0_i32 = arith.constant 0 : i32
    %c0_i32_0 = arith.constant 0 : i32
    %c0_i32_1 = arith.constant 0 : i32
    return %c0_i32, %c0_i32_0 : i32, i32
  }
  func.func @transform_2(%arg0: i32) -> (i32, i32) {
    %c0_i32 = arith.constant 0 : i32
    %c0_i32_0 = arith.constant 0 : i32
    return %arg0, %c0_i32 : i32, i32
  }
}

module attributes {stable_mosaic.version = 14 : i64} {
  func.func @_update_body(%arg0: i32, %arg1: memref<4096x1xi32, #tpu.memory_space<vmem>>, %arg2: memref<4096x512xbf16, #tpu.memory_space<vmem>>, %arg3: memref<1024x512xf32, #tpu.memory_space<vmem>>, %arg4: memref<1024x512xbf16, #tpu.memory_space<vmem>>) attributes {dimension_semantics = [#tpu.dimension_semantics<arbitrary>], iteration_bounds = array<i64: 4>, scalar_prefetch = 0 : i64, scratch_operands = 0 : i64, tpu.core_type = #tpu.core_type<tc>, window_params = [{pipeline_mode = #tpu.pipeline_mode<synchronous>, transform_indices = @transform_0, window_bounds = array<i64: 4096, 1>}, {pipeline_mode = #tpu.pipeline_mode<synchronous>, transform_indices = @transform_1, window_bounds = array<i64: 4096, 512>}, {transform_indices = @transform_2, window_bounds = array<i64: 1024, 512>}, {transform_indices = @transform_3, window_bounds = array<i64: 1024, 512>}]} {
    %get3A = arith.constant 0 : index
    %get3A_0 = arith.constant 0 : index
    %get3A_1 = vector.load %arg1[%get3A, %get3A_0] : memref<4096x1xi32, #tpu.memory_space<vmem>>, vector<4096x1xi32>
    %mul3A = arith.constant 1024 : i32
    %mul3A_2 = arith.muli %arg0, %mul3A : i32
    %sub3A = vector.broadcast %mul3A_2 : i32 to vector<4096x1xi32>
    %sub3A_3 = arith.subi %get3A_1, %sub3A : vector<4096x1xi32>
    %iota3A = tpu.iota {dimensions = array<i32: 1>} : vector<4096x1024xi32>
    %eq3A = vector.broadcast %sub3A_3 : vector<4096x1xi32> to vector<4096x1024xi32>
    %eq3A_4 = arith.cmpi eq, %eq3A, %iota3A : vector<4096x1024xi32>
    %convert_element_type3A = arith.extui %eq3A_4 : vector<4096x1024xi1> to vector<4096x1024xi32>
    %convert_element_type3A_5 = arith.sitofp %convert_element_type3A : vector<4096x1024xi32> to vector<4096x1024xf32>
    %convert_element_type3A_6 = arith.truncf %convert_element_type3A_5 : vector<4096x1024xf32> to vector<4096x1024xbf16>
    %get3A_7 = arith.constant 0 : index
    %get3A_8 = arith.constant 0 : index
    %get3A_9 = vector.load %arg2[%get3A_7, %get3A_8] : memref<4096x512xbf16, #tpu.memory_space<vmem>>, vector<4096x512xbf16>
    %dot_general3A = arith.constant dense<0.000000e+00> : vector<1024x512xf32>
    %dot_general3A_10 = tpu.matmul %convert_element_type3A_6, %get3A_9, %dot_general3A {dimension_numbers = #tpu.dot_dimension_numbers<[0], [0], [1], [1], [0, 1, 1, 1], [], []>, transpose_lhs_hint = false} : vector<4096x1024xbf16>, vector<4096x512xbf16>, vector<1024x512xf32> -> vector<1024x512xf32>
    %convert_element_type3A_11 = arith.extf %convert_element_type3A_6 : vector<4096x1024xbf16> to vector<4096x1024xf32>
    %reduce_sum3A = arith.constant dense<0.000000e+00> : vector<1024xf32>
    %reduce_sum3A_12 = vector.multi_reduction <add>, %convert_element_type3A_11, %reduce_sum3A [0] : vector<4096x1024xf32> to vector<1024xf32>
    %broadcast_in_dim3A = vector.shape_cast %reduce_sum3A_12 : vector<1024xf32> to vector<1x1024xf32>
    %iota3A_13 = tpu.iota {dimensions = array<i32: 0>} : vector<1024x1024xi32>
    %iota3A_14 = tpu.iota {dimensions = array<i32: 1>} : vector<1024x1024xi32>
    %eq3A_15 = arith.cmpi eq, %iota3A_13, %iota3A_14 : vector<1024x1024xi32>
    %jit3A = arith.constant 0.000000e+00 : f32
    %broadcast_in_dim3A_16 = vector.shape_cast %broadcast_in_dim3A : vector<1x1024xf32> to vector<1x1024xf32>
    %broadcast_in_dim3A_17 = vector.broadcast %broadcast_in_dim3A_16 : vector<1x1024xf32> to vector<1024x1024xf32>
    %broadcast_in_dim3A_18 = vector.broadcast %jit3A : f32 to vector<1024x1024xf32>
    %select_n3A = arith.select %eq3A_15, %broadcast_in_dim3A_17, %broadcast_in_dim3A_18 : vector<1024x1024xi1>, vector<1024x1024xf32>
    %reduce_sum3A_19 = arith.constant dense<0.000000e+00> : vector<1024xf32>
    %reduce_sum3A_20 = vector.multi_reduction <add>, %select_n3A, %reduce_sum3A_19 [1] : vector<1024x1024xf32> to vector<1024xf32>
    %broadcast_in_dim3A_21 = vector.shape_cast %reduce_sum3A_20 : vector<1024xf32> to vector<1024x1xf32>
    %max3A = arith.constant 1.000000e+00 : f32
    %max3A_22 = vector.broadcast %max3A : f32 to vector<1024x1xf32>
    %max3A_23 = arith.maximumf %broadcast_in_dim3A_21, %max3A_22 : vector<1024x1xf32>
    %div3A = vector.broadcast %max3A_23 : vector<1024x1xf32> to vector<1024x512xf32>
    %div3A_24 = arith.divf %dot_general3A_10, %div3A : vector<1024x512xf32>
    %get3A_25 = arith.constant 0 : index
    %get3A_26 = arith.constant 0 : index
    %get3A_27 = vector.load %arg3[%get3A_25, %get3A_26] : memref<1024x512xf32, #tpu.memory_space<vmem>>, vector<1024x512xf32>
    %gt3A = arith.constant 0.000000e+00 : f32
    %gt3A_28 = vector.broadcast %gt3A : f32 to vector<1024x1xf32>
    %gt3A_29 = arith.cmpf ogt, %broadcast_in_dim3A_21, %gt3A_28 : vector<1024x1xf32>
    %mul3A_30 = arith.constant 0.899999976 : f32
    %mul3A_31 = vector.broadcast %mul3A_30 : f32 to vector<1024x512xf32>
    %mul3A_32 = arith.mulf %mul3A_31, %get3A_27 : vector<1024x512xf32>
    %mul3A_33 = arith.constant 1.000000e-01 : f32
    %mul3A_34 = vector.broadcast %mul3A_33 : f32 to vector<1024x512xf32>
    %mul3A_35 = arith.mulf %mul3A_34, %div3A_24 : vector<1024x512xf32>
    %add3A = arith.addf %mul3A_32, %mul3A_35 : vector<1024x512xf32>
    %broadcast_in_dim3A_36 = vector.shape_cast %gt3A_29 : vector<1024x1xi1> to vector<1024x1xi1>
    %broadcast_in_dim3A_37 = vector.broadcast %broadcast_in_dim3A_36 : vector<1024x1xi1> to vector<1024x512xi1>
    %select_n3A_38 = arith.select %broadcast_in_dim3A_37, %add3A, %get3A_27 : vector<1024x512xi1>, vector<1024x512xf32>
    %convert_element_type3A_39 = arith.truncf %select_n3A_38 : vector<1024x512xf32> to vector<1024x512xbf16>
    %swap3A = arith.constant 0 : index
    %swap3A_40 = arith.constant 0 : index
    %swap3A_41 = vector.load %arg4[%swap3A, %swap3A_40] : memref<1024x512xbf16, #tpu.memory_space<vmem>>, vector<1024x512xbf16>
    tpu.vector_store %arg4[%swap3A, %swap3A_40], %convert_element_type3A_39 {strides = array<i32>} : memref<1024x512xbf16, #tpu.memory_space<vmem>>, vector<1024x512xbf16>,
    return
  }
  func.func @transform_0(%arg0: i32) -> (i32, i32) {
    %c0_i32 = arith.constant 0 : i32
    %c0_i32_0 = arith.constant 0 : i32
    %c0_i32_1 = arith.constant 0 : i32
    return %c0_i32, %c0_i32_0 : i32, i32
  }
  func.func @transform_1(%arg0: i32) -> (i32, i32) {
    %c0_i32 = arith.constant 0 : i32
    %c0_i32_0 = arith.constant 0 : i32
    %c0_i32_1 = arith.constant 0 : i32
    return %c0_i32, %c0_i32_0 : i32, i32
  }
  func.func @transform_2(%arg0: i32) -> (i32, i32) {
    %c0_i32 = arith.constant 0 : i32
    %c0_i32_0 = arith.constant 0 : i32
    return %arg0, %c0_i32 : i32, i32
  }
  func.func @transform_3(%arg0: i32) -> (i32, i32) {
    %c0_i32 = arith.constant 0 : i32
    %c0_i32_0 = arith.constant 0 : i32
    return %arg0, %c0_i32 : i32, i32
  }
}

module attributes {stable_mosaic.version = 14 : i64} {
  func.func @_mlp_body(%arg0: i32, %arg1: memref<1024x512xbf16, #tpu.memory_space<vmem>>, %arg2: memref<1024x1xi32, #tpu.memory_space<vmem>>, %arg3: memref<1024x128xf32, #tpu.memory_space<vmem>>, %arg4: memref<4096x512xbf16, #tpu.memory_space<vmem>>, %arg5: memref<512x256xbf16, #tpu.memory_space<vmem>>, %arg6: memref<128x256xbf16, #tpu.memory_space<vmem>>, %arg7: memref<1x256xf32, #tpu.memory_space<vmem>>, %arg8: memref<1x256xf32, #tpu.memory_space<vmem>>, %arg9: memref<1x256xf32, #tpu.memory_space<vmem>>, %arg10: memref<256x4096xbf16, #tpu.memory_space<vmem>>, %arg11: memref<1x4096xf32, #tpu.memory_space<vmem>>, %arg12: memref<1024x512xf32, #tpu.memory_space<vmem>>) attributes {dimension_semantics = [#tpu.dimension_semantics<arbitrary>], iteration_bounds = array<i64: 4>, scalar_prefetch = 0 : i64, scratch_operands = 0 : i64, tpu.core_type = #tpu.core_type<tc>, window_params = [{transform_indices = @transform_0, window_bounds = array<i64: 1024, 512>}, {transform_indices = @transform_1, window_bounds = array<i64: 1024, 1>}, {transform_indices = @transform_2, window_bounds = array<i64: 1024, 128>}, {pipeline_mode = #tpu.pipeline_mode<synchronous>, transform_indices = @transform_3, window_bounds = array<i64: 4096, 512>}, {pipeline_mode = #tpu.pipeline_mode<synchronous>, transform_indices = @transform_4, window_bounds = array<i64: 512, 256>}, {pipeline_mode = #tpu.pipeline_mode<synchronous>, transform_indices = @transform_5, window_bounds = array<i64: 128, 256>}, {pipeline_mode = #tpu.pipeline_mode<synchronous>, transform_indices = @transform_6, window_bounds = array<i64: 1, 256>}, {pipeline_mode = #tpu.pipeline_mode<synchronous>, transform_indices = @transform_7, window_bounds = array<i64: 1, 256>}, {pipeline_mode = #tpu.pipeline_mode<synchronous>, transform_indices = @transform_8, window_bounds = array<i64: 1, 256>}, {pipeline_mode = #tpu.pipeline_mode<synchronous>, transform_indices = @transform_9, window_bounds = array<i64: 256, 4096>}, {pipeline_mode = #tpu.pipeline_mode<synchronous>, transform_indices = @transform_10, window_bounds = array<i64: 1, 4096>}, {transform_indices = @transform_11, window_bounds = array<i64: 1024, 512>}]} {
    %get3A = arith.constant 0 : index
    %get3A_0 = arith.constant 0 : index
    %get3A_1 = vector.load %arg1[%get3A, %get3A_0] : memref<1024x512xbf16, #tpu.memory_space<vmem>>, vector<1024x512xbf16>
    %get3A_2 = arith.constant 0 : index
    %get3A_3 = arith.constant 0 : index
    %get3A_4 = vector.load %arg2[%get3A_2, %get3A_3] : memref<1024x1xi32, #tpu.memory_space<vmem>>, vector<1024x1xi32>
    %iota3A = tpu.iota {dimensions = array<i32: 1>} : vector<1024x4096xi32>
    %eq3A = vector.broadcast %get3A_4 : vector<1024x1xi32> to vector<1024x4096xi32>
    %eq3A_5 = arith.cmpi eq, %eq3A, %iota3A : vector<1024x4096xi32>
    %convert_element_type3A = arith.extui %eq3A_5 : vector<1024x4096xi1> to vector<1024x4096xi32>
    %convert_element_type3A_6 = arith.sitofp %convert_element_type3A : vector<1024x4096xi32> to vector<1024x4096xf32>
    %convert_element_type3A_7 = arith.truncf %convert_element_type3A_6 : vector<1024x4096xf32> to vector<1024x4096xbf16>
    %get3A_8 = arith.constant 0 : index
    %get3A_9 = arith.constant 0 : index
    %get3A_10 = vector.load %arg5[%get3A_8, %get3A_9] : memref<512x256xbf16, #tpu.memory_space<vmem>>, vector<512x256xbf16>
    %dot_general3A = arith.constant dense<0.000000e+00> : vector<1024x256xf32>
    %dot_general3A_11 = tpu.matmul %get3A_1, %get3A_10, %dot_general3A {dimension_numbers = #tpu.dot_dimension_numbers<[1], [0], [0], [1], [0, 0, 1, 1], [], []>, transpose_lhs_hint = false} : vector<1024x512xbf16>, vector<512x256xbf16>, vector<1024x256xf32> -> vector<1024x256xf32>
    %get3A_12 = arith.constant 0 : index
    %get3A_13 = arith.constant 0 : index
    %get3A_14 = vector.load %arg3[%get3A_12, %get3A_13] : memref<1024x128xf32, #tpu.memory_space<vmem>>, vector<1024x128xf32>
    %convert_element_type3A_15 = arith.truncf %get3A_14 : vector<1024x128xf32> to vector<1024x128xbf16>
    %get3A_16 = arith.constant 0 : index
    %get3A_17 = arith.constant 0 : index
    %get3A_18 = vector.load %arg6[%get3A_16, %get3A_17] : memref<128x256xbf16, #tpu.memory_space<vmem>>, vector<128x256xbf16>
    %dot_general3A_19 = arith.constant dense<0.000000e+00> : vector<1024x256xf32>
    %dot_general3A_20 = tpu.matmul %convert_element_type3A_15, %get3A_18, %dot_general3A_19 {dimension_numbers = #tpu.dot_dimension_numbers<[1], [0], [0], [1], [0, 0, 1, 1], [], []>, transpose_lhs_hint = false} : vector<1024x128xbf16>, vector<128x256xbf16>, vector<1024x256xf32> -> vector<1024x256xf32>
    %add3A = arith.addf %dot_general3A_11, %dot_general3A_20 : vector<1024x256xf32>
    %get3A_21 = arith.constant 0 : index
    %get3A_22 = arith.constant 0 : index
    %get3A_23 = vector.load %arg7[%get3A_21, %get3A_22] : memref<1x256xf32, #tpu.memory_space<vmem>>, vector<1x256xf32>
    %add3A_24 = vector.broadcast %get3A_23 : vector<1x256xf32> to vector<1024x256xf32>
    %add3A_25 = arith.addf %add3A, %add3A_24 : vector<1024x256xf32>
    %reduce_sum3A = arith.constant dense<0.000000e+00> : vector<1024xf32>
    %reduce_sum3A_26 = vector.multi_reduction <add>, %add3A_25, %reduce_sum3A [1] : vector<1024x256xf32> to vector<1024xf32>
    %broadcast_in_dim3A = vector.shape_cast %reduce_sum3A_26 : vector<1024xf32> to vector<1024x1xf32>
    %div3A = arith.constant 2.560000e+02 : f32
    %div3A_27 = vector.broadcast %div3A : f32 to vector<1024x1xf32>
    %div3A_28 = arith.divf %broadcast_in_dim3A, %div3A_27 : vector<1024x1xf32>
    %sub3A = vector.broadcast %div3A_28 : vector<1024x1xf32> to vector<1024x256xf32>
    %sub3A_29 = arith.subf %add3A_25, %sub3A : vector<1024x256xf32>
    %sub3A_30 = vector.broadcast %div3A_28 : vector<1024x1xf32> to vector<1024x256xf32>
    %sub3A_31 = arith.subf %add3A_25, %sub3A_30 : vector<1024x256xf32>
    %mul3A = arith.mulf %sub3A_29, %sub3A_31 : vector<1024x256xf32>
    %reduce_sum3A_32 = arith.constant dense<0.000000e+00> : vector<1024xf32>
    %reduce_sum3A_33 = vector.multi_reduction <add>, %mul3A, %reduce_sum3A_32 [1] : vector<1024x256xf32> to vector<1024xf32>
    %broadcast_in_dim3A_34 = vector.shape_cast %reduce_sum3A_33 : vector<1024xf32> to vector<1024x1xf32>
    %div3A_35 = arith.constant 2.560000e+02 : f32
    %div3A_36 = vector.broadcast %div3A_35 : f32 to vector<1024x1xf32>
    %div3A_37 = arith.divf %broadcast_in_dim3A_34, %div3A_36 : vector<1024x1xf32>
    %sub3A_38 = vector.broadcast %div3A_28 : vector<1024x1xf32> to vector<1024x256xf32>
    %sub3A_39 = arith.subf %add3A_25, %sub3A_38 : vector<1024x256xf32>
    %add3A_40 = arith.constant 9.99999974E-6 : f32
    %add3A_41 = vector.broadcast %add3A_40 : f32 to vector<1024x1xf32>
    %add3A_42 = arith.addf %div3A_37, %add3A_41 : vector<1024x1xf32>
    %sqrt3A = math.sqrt %add3A_42 : vector<1024x1xf32>
    %div3A_43 = vector.broadcast %sqrt3A : vector<1024x1xf32> to vector<1024x256xf32>
    %div3A_44 = arith.divf %sub3A_39, %div3A_43 : vector<1024x256xf32>
    %get3A_45 = arith.constant 0 : index
    %get3A_46 = arith.constant 0 : index
    %get3A_47 = vector.load %arg8[%get3A_45, %get3A_46] : memref<1x256xf32, #tpu.memory_space<vmem>>, vector<1x256xf32>
    %mul3A_48 = vector.broadcast %get3A_47 : vector<1x256xf32> to vector<1024x256xf32>
    %mul3A_49 = arith.mulf %div3A_44, %mul3A_48 : vector<1024x256xf32>
    %get3A_50 = arith.constant 0 : index
    %get3A_51 = arith.constant 0 : index
    %get3A_52 = vector.load %arg9[%get3A_50, %get3A_51] : memref<1x256xf32, #tpu.memory_space<vmem>>, vector<1x256xf32>
    %add3A_53 = vector.broadcast %get3A_52 : vector<1x256xf32> to vector<1024x256xf32>
    %add3A_54 = arith.addf %mul3A_49, %add3A_53 : vector<1024x256xf32>
    %max3A = arith.constant 0.000000e+00 : f32
    %max3A_55 = vector.broadcast %max3A : f32 to vector<1024x256xf32>
    %max3A_56 = arith.maximumf %add3A_54, %max3A_55 : vector<1024x256xf32>
    %convert_element_type3A_57 = arith.truncf %max3A_56 : vector<1024x256xf32> to vector<1024x256xbf16>
    %get3A_58 = arith.constant 0 : index
    %get3A_59 = arith.constant 0 : index
    %get3A_60 = vector.load %arg10[%get3A_58, %get3A_59] : memref<256x4096xbf16, #tpu.memory_space<vmem>>, vector<256x4096xbf16>
    %dot_general3A_61 = arith.constant dense<0.000000e+00> : vector<1024x4096xf32>
    %dot_general3A_62 = tpu.matmul %convert_element_type3A_57, %get3A_60, %dot_general3A_61 {dimension_numbers = #tpu.dot_dimension_numbers<[1], [0], [0], [1], [0, 0, 1, 1], [], []>, transpose_lhs_hint = false} : vector<1024x256xbf16>, vector<256x4096xbf16>, vector<1024x4096xf32> -> vector<1024x4096xf32>
    %get3A_63 = arith.constant 0 : index
    %get3A_64 = arith.constant 0 : index
    %get3A_65 = vector.load %arg11[%get3A_63, %get3A_64] : memref<1x4096xf32, #tpu.memory_space<vmem>>, vector<1x4096xf32>
    %add3A_66 = vector.broadcast %get3A_65 : vector<1x4096xf32> to vector<1024x4096xf32>
    %add3A_67 = arith.addf %dot_general3A_62, %add3A_66 : vector<1024x4096xf32>
    %exp3A = math.exp %add3A_67 : vector<1024x4096xf32>
    %reduce_sum3A_68 = arith.constant dense<0.000000e+00> : vector<1024xf32>
    %reduce_sum3A_69 = vector.multi_reduction <add>, %exp3A, %reduce_sum3A_68 [1] : vector<1024x4096xf32> to vector<1024xf32>
    %broadcast_in_dim3A_70 = vector.shape_cast %reduce_sum3A_69 : vector<1024xf32> to vector<1024x1xf32>
    %div3A_71 = vector.broadcast %broadcast_in_dim3A_70 : vector<1024x1xf32> to vector<1024x4096xf32>
    %div3A_72 = arith.divf %exp3A, %div3A_71 : vector<1024x4096xf32>
    %convert_element_type3A_73 = arith.truncf %div3A_72 : vector<1024x4096xf32> to vector<1024x4096xbf16>
    %add3A_74 = arith.addf %convert_element_type3A_73, %convert_element_type3A_7 : vector<1024x4096xbf16>
    %get3A_75 = arith.constant 0 : index
    %get3A_76 = arith.constant 0 : index
    %get3A_77 = vector.load %arg4[%get3A_75, %get3A_76] : memref<4096x512xbf16, #tpu.memory_space<vmem>>, vector<4096x512xbf16>
    %dot_general3A_78 = arith.constant dense<0.000000e+00> : vector<1024x512xf32>
    %dot_general3A_79 = tpu.matmul %add3A_74, %get3A_77, %dot_general3A_78 {dimension_numbers = #tpu.dot_dimension_numbers<[1], [0], [0], [1], [0, 0, 1, 1], [], []>, transpose_lhs_hint = false} : vector<1024x4096xbf16>, vector<4096x512xbf16>, vector<1024x512xf32> -> vector<1024x512xf32>
    %swap3A = arith.constant 0 : index
    %swap3A_80 = arith.constant 0 : index
    %swap3A_81 = vector.load %arg12[%swap3A, %swap3A_80] : memref<1024x512xf32, #tpu.memory_space<vmem>>, vector<1024x512xf32>
    tpu.vector_store %arg12[%swap3A, %swap3A_80], %dot_general3A_79 {strides = array<i32>} : memref<1024x512xf32, #tpu.memory_space<vmem>>, vector<1024x512xf32>,
    return
  }
  func.func @transform_0(%arg0: i32) -> (i32, i32) {
    %c0_i32 = arith.constant 0 : i32
    %c0_i32_0 = arith.constant 0 : i32
    return %arg0, %c0_i32 : i32, i32
  }
  func.func @transform_1(%arg0: i32) -> (i32, i32) {
    %c0_i32 = arith.constant 0 : i32
    %c0_i32_0 = arith.constant 0 : i32
    return %arg0, %c0_i32 : i32, i32
  }
  func.func @transform_2(%arg0: i32) -> (i32, i32) {
    %c0_i32 = arith.constant 0 : i32
    %c0_i32_0 = arith.constant 0 : i32
    return %arg0, %c0_i32 : i32, i32
  }
  func.func @transform_3(%arg0: i32) -> (i32, i32) {
    %c0_i32 = arith.constant 0 : i32
    %c0_i32_0 = arith.constant 0 : i32
    %c0_i32_1 = arith.constant 0 : i32
    return %c0_i32, %c0_i32_0 : i32, i32
  }
  func.func @transform_4(%arg0: i32) -> (i32, i32) {
    %c0_i32 = arith.constant 0 : i32
    %c0_i32_0 = arith.constant 0 : i32
    %c0_i32_1 = arith.constant 0 : i32
    return %c0_i32, %c0_i32_0 : i32, i32
  }
  func.func @transform_5(%arg0: i32) -> (i32, i32) {
    %c0_i32 = arith.constant 0 : i32
    %c0_i32_0 = arith.constant 0 : i32
    %c0_i32_1 = arith.constant 0 : i32
    return %c0_i32, %c0_i32_0 : i32, i32
  }
  func.func @transform_6(%arg0: i32) -> (i32, i32) {
    %c0_i32 = arith.constant 0 : i32
    %c0_i32_0 = arith.constant 0 : i32
    %c0_i32_1 = arith.constant 0 : i32
    return %c0_i32, %c0_i32_0 : i32, i32
  }
  func.func @transform_7(%arg0: i32) -> (i32, i32) {
    %c0_i32 = arith.constant 0 : i32
    %c0_i32_0 = arith.constant 0 : i32
    %c0_i32_1 = arith.constant 0 : i32
    return %c0_i32, %c0_i32_0 : i32, i32
  }
  func.func @transform_8(%arg0: i32) -> (i32, i32) {
    %c0_i32 = arith.constant 0 : i32
    %c0_i32_0 = arith.constant 0 : i32
    %c0_i32_1 = arith.constant 0 : i32
    return %c0_i32, %c0_i32_0 : i32, i32
  }
  func.func @transform_9(%arg0: i32) -> (i32, i32) {
    %c0_i32 = arith.constant 0 : i32
    %c0_i32_0 = arith.constant 0 : i32
    %c0_i32_1 = arith.constant 0 : i32
    return %c0_i32, %c0_i32_0 : i32, i32
  }
  func.func @transform_10(%arg0: i32) -> (i32, i32) {
    %c0_i32 = arith.constant 0 : i32
    %c0_i32_0 = arith.constant 0 : i32
    %c0_i32_1 = arith.constant 0 : i32
    return %c0_i32, %c0_i32_0 : i32, i32
  }
  func.func @transform_11(%arg0: i32) -> (i32, i32) {
    %c0_i32 = arith.constant 0 : i32
    %c0_i32_0 = arith.constant 0 : i32
    return %arg0, %c0_i32 : i32, i32
  }
}

</mosaic_0001>

<sc_bundles>
// kernel: kernel.6.cloned.1.call-start
scs
__scs_entry_jumppad:
0x0: {  	(pc) =	sbr.rel $0x88, $3  }
0x1: {  	(tag) =	ssettag $0x0;
	lr =	simm.s32 $0x1  }
0x2: {  	[smem:$0x3F98] =	sst lr;
	_ =	strace $0xD0000000  }
0x3: {  	_ = 	snop  }
0x4: {  	_ = 	snop  }
0x5: {  	_ = 	snop  }
0x6: {  	_ = 	snop  }
0x7: {  	_ = 	snop  }
__scs_overlays_trampoline_lowered:
0x8: {  	[smem:$0x3FA7] =	sst s0  }
0x9: {  	[smem:$0x3FA8] =	sst s1  }
0xa: {  	[smem:$0x3FA9] =	sst s2  }
0xb: {  	[smem:$0x3FAA] =	sst s3  }
0xc: {  	[smem:$0x3FAB] =	sst s4  }
0xd: {  	[smem:$0x3FAC] =	sst s5  }
0xe: {  	[smem:$0x3FAD] =	sst s6  }
0xf: {  	[smem:$0x3FAE] =	sst s7  }
0x10: {  	[smem:$0x3FAF] =	sst s8  }
0x11: {  	[smem:$0x3FB0] =	sst s9;
	s0 =	simm.s32 @!p0 $0x0  }
0x12: {  	s1 =	sld [smem:$0x3F96];
	s0 =	simm.s32 @p0 $0x1  }
0x13: {  	[smem:$0x3FB1] =	sst s0;
	s0 =	simm.s32 @!p1 $0x0  }
0x14: {  	s2 =	sld [smem:$0x3F95];
	s0 =	simm.s32 @p1 $0x1  }
0x15: {  	[smem:$0x3FB2] =	sst s0;
	s0 =	simm.s32 @!p2 $0x0  }
0x16: {  	s3 =	sld [smem:$0x3FDB];
	s0 =	simm.s32 @p2 $0x1  }
0x17: {  	s4 =	simm.s32 $0x1BF5;
	[smem:$0x3FB4] =	sst s0  }
0x18: {  	s0 =	sld [smem:$0x3F97];
	_ =	swait.ge [sflag:s4], $0x0  }
0x19: {  	s7 =	sld [smem:$0x3F98]  }
0x1a: {  	s8 =	sadd.s32 $0xFFFFE003, lr  }
0x1b: {  	s9 =	sadd.s32 $0xFFFFFEF7, lr;
	s5 =	simm.s32 $0xFFFFFFFF;
	p2 =	slt.u32 s8, $0xFFFFF086  }
0x1c: {  	p1 =	slt.u32 s9, $0xF7A;
	s5 =	simm.s32 @!p2 $0x0  }
0x1d: {  	s5 =	simm.s32 @p1 $0x1;
	p0 =	seq.s32 s7, s2  }
0x1e: {  	s7 =	smul.u32 @!p0 $0xF7A, s2;
	p2 =	seq.s32 @!p0 s5, $0x0  }
0x1f: {  	s9 =	smul.u32 $0xF7A, s1;
	s8 =	simm.s32 @!p0 $0x1BF5;
	p2 =	por !p2, p0  }
0x20: {  	[sflag:s8] =	ssyncset.s32 @!p0 $0xFFFFF086;
	s6 =	sadd.s32 @!p0 s3, s7;
	s7 =	simm.s32 @!p0 $0x108  }
0x21: {  	s3 =	sadd.s32 s3, s9;
	s6 =	sadd.s32 @!p0 $0x88, s6;
	s7 =	simm.s32 @p2 $0x1082  }
0x22: {  	[simem:s7], [sflag:s8] =	dma.local @!p0 [hbm:s6], $0xF7A  }
0x23: {  	s9 =	sor.u32 $0xD0000000, s2;
	s6 =	simm.s32 $0x108;
	_ =	swait.ge @!p0 [sflag:s8], $0x0  }
0x24: {  	s3 =	sadd.s32 $0x88, s3;
	s6 =	simm.s32 @!p1 $0x1082;
	[sflag:s4] =	ssyncset.s32 $0xFFFFF086  }
0x25: {  	[simem:s6], [sflag:s4] =	dma.local [hbm:s3], $0xF7A  }
0x26: {  	[smem:$0x3F98] =	sst s1;
	(tag) =	ssettag s2;
	_ =	strace s9  }
0x27: {  	s1 =	sld [smem:$0x3FA8]  }
0x28: {  	s2 =	sld [smem:$0x3FA9]  }
0x29: {  	s4 =	sld [smem:$0x3FAB]  }
0x2a: {  	p0 =	seq.s32 s5, $0x0;
	s5 =	sld [smem:$0x3FAC]  }
0x2b: {  	s6 =	sld [smem:$0x3FAD]  }
0x2c: {  	s7 =	sld [smem:$0x3FAE]  }
0x2d: {  	s3 =	simm.s32 $0x108;
	s8 =	sld [smem:$0x3FAF]  }
0x2e: {  	s3 =	simm.s32 @!p0 $0x1082;
	s9 =	sld [smem:$0x3FB0]  }
0x2f: {  	lr =	sadd.s32 s0, s3;
	s0 =	sld [smem:$0x3FA7]  }
0x30: {  	s3 =	sld [smem:$0x3FAA]  }
0x31: {  	[smem:$0x3FB3] =	sst s10  }
0x32: {  	s10 =	sld [smem:$0x3FB1];
	_ =	sdelay $0x3  }
0x33: {  	p0 =	seq.s32 s10, $0x1;
	s10 =	sld [smem:$0x3FB3];
	_ =	sdelay $0x3  }
0x34: {  	[smem:$0x3FB3] =	sst s10  }
0x35: {  	s10 =	sld [smem:$0x3FB2];
	_ =	sdelay $0x3  }
0x36: {  	p1 =	seq.s32 s10, $0x1;
	s10 =	sld [smem:$0x3FB3];
	_ =	sdelay $0x3  }
0x37: {  	[smem:$0x3FB3] =	sst s10  }
0x38: {  	s10 =	sld [smem:$0x3FB4]  }
0x39: {  	_ = 	snop;
	(pc) =	sbr.ind lr, $3  }
0x3a: {  	_ = 	snop  }
0x3b: {  	_ = 	snop  }
0x3c: {  	p2 =	seq.s32 s10, $0x1;
	s10 =	sld [smem:$0x3FB3]  }
0x3d: {  	_ =	shalt  }
0x3e: {  	_ =	shalt  }
0x3f: {  	_ =	shalt  }
0x40: {  	_ =	shalt  }
0x41: {  	_ =	shalt  }
0x42: {  	_ =	shalt  }
0x43: {  	_ =	shalt  }
0x44: {  	_ =	shalt  }
0x45: {  	_ =	shalt  }
0x46: {  	_ =	shalt  }
0x47: {  	_ =	shalt  }
0x48: {  	_ =	shalt  }
0x49: {  	_ =	shalt  }
0x4a: {  	_ =	shalt  }
0x4b: {  	_ =	shalt  }
0x4c: {  	_ =	shalt  }
0x4d: {  	_ =	shalt  }
0x4e: {  	_ =	shalt  }
0x4f: {  	_ =	shalt  }
0x50: {  	_ =	shalt  }
0x51: {  	_ =	shalt  }
0x52: {  	_ =	shalt  }
0x53: {  	_ =	shalt  }
0x54: {  	_ =	shalt  }
0x55: {  	_ =	shalt  }
0x56: {  	_ =	shalt  }
0x57: {  	_ =	shalt  }
0x58: {  	_ =	shalt  }
0x59: {  	_ =	shalt  }
0x5a: {  	_ =	shalt  }
0x5b: {  	_ =	shalt  }
0x5c: {  	_ =	shalt  }
0x5d: {  	_ =	shalt  }
0x5e: {  	_ =	shalt  }
0x5f: {  	_ =	shalt  }
0x60: {  	_ =	shalt  }
0x61: {  	_ =	shalt  }
0x62: {  	_ =	shalt  }
0x63: {  	_ =	shalt  }
0x64: {  	_ =	shalt  }
0x65: {  	_ =	shalt  }
0x66: {  	_ =	shalt  }
0x67: {  	_ =	shalt  }
0x68: {  	_ =	shalt  }
0x69: {  	_ =	shalt  }
0x6a: {  	_ =	shalt  }
0x6b: {  	_ =	shalt  }
0x6c: {  	_ =	shalt  }
0x6d: {  	_ =	shalt  }
0x6e: {  	_ =	shalt  }
0x6f: {  	_ =	shalt  }
0x70: {  	_ =	shalt  }
0x71: {  	_ =	shalt  }
0x72: {  	_ =	shalt  }
0x73: {  	_ =	shalt  }
0x74: {  	_ =	shalt  }
0x75: {  	_ =	shalt  }
0x76: {  	_ =	shalt  }
0x77: {  	_ =	shalt  }
0x78: {  	_ =	shalt  }
0x79: {  	_ =	shalt  }
0x7a: {  	_ =	shalt  }
0x7b: {  	_ =	shalt  }
0x7c: {  	_ =	shalt  }
0x7d: {  	_ =	shalt  }
0x7e: {  	_ =	shalt  }
0x7f: {  	_ =	shalt  }
0x80: {  	_ =	shalt  }
0x81: {  	_ =	shalt  }
0x82: {  	_ =	shalt  }
0x83: {  	_ =	shalt  }
0x84: {  	_ =	shalt  }
0x85: {  	_ =	shalt  }
0x86: {  	_ =	shalt  }
0x87: {  	_ =	shalt  }
.Lfunc_end0:
.L_simem_size_0:
called_computation_lowered:
.L_overlay_start_0:
0x88: {  	s2 =	sld [smem:$0x3FD9]  }
0x89: {  	s3 =	sld [smem:$0x3FFE];
	_ =	sdelay $0x1  }
0x8a: {  	s1 =	srdreg.scid  }
0x8b: {  	s0 =	sand.u32 $0x1, s1  }
0x8c: {  	s17 =	sshll.u32 s0, $0xA;
	s2 =	sadd.s32 s3, s2  }
0x8d: {  	s2 =	sadd.s32 s2, s17  }
0x8e: {  	[smem:$0x3FBF] =	sst s2  }
0x8f: {  	_ = 	snop  }
0x90: {  	s2 =	sld [smem:$0x3FC7];
	(tm) =	ssettm $0x1  }
0x91: {  	s18 =	sld [smem:$0x3FFB];
	_ =	sdelay $0x3  }
0x92: {  	_ =	strace s18  }
0x93: {  	s3 =	sld [smem:$0x3FFC];
	_ =	sdelay $0x3  }
0x94: {  	_ =	strace s3  }
0x95: {  	s3 =	sld [smem:$0x3FFD];
	_ =	sdelay $0x3  }
0x96: {  	_ =	strace s3  }
0x97: {  	_ =	strace $0x8FFFFFFF  }
0x98: {  	s19 =	sld [smem:$0x3FDB];
	_ =	sdelay $0x1  }
0x99: {  	s4 =	simm.s32 $_scs_section_size  }
0x9a: {  	s5 =	simm.s32 $_size__tile_overlayer_lowered;
	s6 =	simm.s32 $_tile_overlayer_lowered  }
0x9b: {  	s22 =	simm.s32 $0x1BFF;
	s21 =	sshll.u32 s6, $0x1;
	s3 =	sadd.s32 s4, s19  }
0x9c: {  	s7 =	simm.s32 $0x0;
	s20 =	sshll.u32 s5, $0x1;
	s5 =	sadd.s32 s21, s3  }
0x9d: {  	[timem:s7], [sflag:s22] =	dma.local [hbm:s5], s20  }
0x9e: {  	_ =	swait.ge [sflag:s22], s20  }
0x9f: {  	s4 =	ssub.s32 $0x0, s20;
	[sflag:s22] =	ssyncset.done $0x0  }
0xa0: {  	[sflag:s22] =	ssyncadd.s32 s4;
	_ =	sdelay $0x1  }
0xa1: {  	s23 =	simm.s32 $0x1B8B  }
0xa2: {  	_ =	swait.ge [sflag:s23], $0x1  }
0xa3: {  	[sflag:s23] =	ssyncset.done $0x0  }
0xa4: {  	s25 =	simm.s32 $0x1B8E;
	s24 =	sld [smem:$0x3FFE];
	[sflag:s23] =	ssyncadd.s32 $0xFFFFFFFF  }
0xa5: {  	s26 =	simm.s32 $execute0_lowered;
	[smem:$0x3FD2] =	sst s25  }
0xa6: {  	s5 =	sshll.u32 s26, $0x1;
	_ =	strace $0x80000046;
	[dreg:$0x1] =	wrdreg $0xFFFFFFFF  }
0xa7: {  	s28 =	simm.s32 $_size_execute0_lowered;
	s3 =	sadd.s32 s3, s5;
	[dreg:$0x0] =	wrdreg $0x0  }
0xa8: {  	s5 =	sshll.u32 s28, $0x1;
	[dreg:$0x2] =	wrdreg s3  }
0xa9: {  	[dreg:$0x3] =	wrdreg s5  }
0xaa: {  	[dreg:$0x4] =	wrdreg $0xC0  }
0xab: {  	_ =	task [dreg:s7], $0x5FFFF  }
0xac: {  	[dreg:$0x1] =	wrdreg $0xFFFFFFFF  }
0xad: {  	[dreg:$0x0] =	wrdreg $0x60  }
0xae: {  	[dreg:$0x2] =	wrdreg s2  }
0xaf: {  	[dreg:$0x3] =	wrdreg s24  }
0xb0: {  	[dreg:$0x4] =	wrdreg $0x9  }
0xb1: {  	_ =	task.clear_ibuf [dreg:s7], $0x5FFFF;
	_ =	strace $0x90000046  }
0xb2: {  	s29 =	simm.s32 $0x9;
	_ =	strace $0x80000048  }
0xb3: {  	_ =	swait.ge [sflag:s29], $0x1  }
0xb4: {  	[sflag:s29] =	ssyncadd.s32 $0xFFFFFFFF  }
0xb5: {  	_ =	strace $0x90000048  }
0xb6: {  	_ =	sfence  }
0xb7: {  	s30 =	sld [smem:$0x0];
	_ =	sdelay $0x2  }
0xb8: {  	s31 =	sshll.u32 s1, $0xD;
	s1 =	sshrl.u32 s1, $0x2  }
0xb9: {  	s3 =	sand.u32 $0x4000, s31;
	s1 =	sadd.s32 s1, s30  }
0xba: {  	s0 =	sor.u32 s3, s0;
	s1 =	sshll.u32 s1, $0x11  }
0xbb: {  	s0 =	sor.u32 s1, s0  }
0xbc: {  	s0 =	sadd.s32 $0x8F2B, s0  }
0xbd: {  	[sflag:s0] =	ssyncadd.remote.s32 $0x1  }
0xbe: {  	_ =	sfence.sel $0xFFFF  }
0xbf: {  	[dreg:$0x0] =	wrdreg $0xFFFFFFFF;
	(pc) =	sbr.abs _section_cstart, $3  }
0xc0: {  	[dreg:$0x1] =	wrdreg $0xFFFFFFFF  }
0xc1: {  	_ =	task.clear_ibuf [dreg:s7], $0x2FFFF;
	_ =	strace $0x9FFFFFFF  }
0xc2: {  	(tm) =	ssettm $0x7FFFFFFF  }
0xc3: {  	_ =	shalt  }
tec
execute0_lowered:
.L_overlay_start_1:
0x0: {  	(tag) =	ssettag $0x1  }
0x1: {  	s1 =	srdreg.scid  }
0x2: {  	s0 =	stileid.u32;
	s6 =	sand.u32 $0x1, s1  }
0x3: {  	s2 =	rddreg [dreg:$0x0];
	s30 =	sshll.u32 s0, $0x8;
	s3 =	sshll.u32 s6, $0x7  }
0x4: {  	s7 =	rddreg [dreg:$0x1];
	s8 =	sor.u32 s3, s30  }
0x5: {  	s1 =	rddreg [dreg:$0x2];
	s3 =	simm.s32 $0x0;
	s4 =	sshrl.u32 s8, $0x3  }
0x6: {  	s9 =	ssub.s32 $0x2, s6;
	[smem:$0x7FF] =	sst s3;
	s4 =	sadd.s32 s4, s7  }
0x7: {  	_ =	strace $0x80000047;
	s5 =	sadd.s32 $0x1E00, s4;
	s4 =	simm.s32 $0x1  }
0x8: {  	[tilespmem:s3], [sflag:$0x1] =	stream.linear.gather [hbm4b:s5+s3], $0x80, $0x38;
	[tilespmem:$0x4080] =	vst v63  }
0x9: {  	s6 =	simm.s32 $0x80;
	s10 =	sshrl.u32 s9, $0x1;
	_ =	swait.ge [sflag:s4], $0x80  }
0xa: {  	s8 =	sshll.u32 s8, $0x4;
	s31 =	ssub.s32 s9, s10;
	[sflag:s4] =	ssyncset.done $0x0  }
0xb: {  	s7 =	sadd.s32 s8, s7;
	s8 =	smax.u32 s31, $0x1;
	[sflag:s4] =	ssyncadd.s32 $0xFFFFFF80  }
0xc: {  	[tilespmem:s6], [sflag:$0x1] =	stream.indirect.gather [hbm4b:s2+s6], $0x80, s3, s6, $0xb8;
	[tilespmem:$0x4080] =	vst v63  }
0xd: {  	p0 =	sne.s32 s8, $0x1;
	_ =	swait.ge [sflag:s4], $0x4000  }
.Ltmp0:
0xe: {  	[sflag:s4] =	ssyncset.done $0x0;
	(pc) =	sbr.rel @!p0 .LBB2_2-.Ltmp0, $4  }
0xf: {  	s7 =	sadd.s32 $0x2000, s7;
	[sflag:s4] =	ssyncadd.s32 $0xFFFFC000  }
0x10: {  	[hbm4b:s7+s3] =	stream.linear.scatter [tilespmem:s6], [sflag:$0x1], $0x4000, $0x38;
	[tilespmem:$0x4080] =	vst v63  }
0x11: {  	_ =	swait.ge [sflag:s4], $0x4000  }
0x12: {  	s8 =	sadd.s32 $0xFFFFFFFF, s8;
	[sflag:s4] =	ssyncset.done $0x0  }
.LBB2_1:
0x13: {  	p0 =	sne.s32 s8, $0x1;
	s8 =	sadd.s32 $0xFFFFFFFF, s8;
	[sflag:s4] =	ssyncadd.s32 $0xFFFFC000  }
0x14: {  	[tilespmem:s3], [sflag:$0x1] =	stream.linear.gather [hbm4b:s5+s3], $0x80, $0x38;
	[tilespmem:$0x4080] =	vst v63  }
0x15: {  	_ =	swait.ge [sflag:s4], $0x80  }
0x16: {  	[sflag:s4] =	ssyncset.done $0x0  }
0x17: {  	[sflag:s4] =	ssyncadd.s32 $0xFFFFFF80  }
0x18: {  	[tilespmem:s6], [sflag:$0x1] =	stream.indirect.gather [hbm4b:s2+s6], $0x80, s3, s6, $0xb8;
	[tilespmem:$0x4080] =	vst v63  }
0x19: {  	_ =	swait.ge [sflag:s4], $0x4000  }
.Ltmp1:
0x1a: {  	[sflag:s4] =	ssyncset.done $0x0;
	(pc) =	sbr.rel @p0 .LBB2_1-.Ltmp1, $4  }
0x1b: {  	[sflag:s4] =	ssyncadd.s32 $0xFFFFC000  }
0x1c: {  	[hbm4b:s7+s3] =	stream.linear.scatter [tilespmem:s6], [sflag:$0x1], $0x4000, $0x38;
	[tilespmem:$0x4080] =	vst v63  }
0x1d: {  	_ =	swait.ge [sflag:s4], $0x4000  }
0x1e: {  	[sflag:s4] =	ssyncset.done $0x0  }
.LBB2_2:
0x1f: {  	[sflag:s4] =	ssyncadd.s32 $0xFFFFC000  }
0x20: {  	_ =	sfence.sel $0x180000  }
0x21: {  	[bflag:$0x0] =	sbarrier.arrive $0xFFFF  }
0x22: {  	p0 =	sne.s32 s0, $0x0;
	_ =	strace $0x90000047  }
0x23: {  	s0 =	sadd.s32 @!p0 $0x100000, s1;
	[bflag:$0x2] =	sbarrier.arrive $0xFFFF  }
0x24: {  	[sflag:s0] =	ssyncadd.tile.s32 @!p0 $0x1;
	_ =	shalt  }
.Lfunc_end2:
_tile_overlayer_lowered:
.L_overlay_start_2:
0x25: {  	(tag) =	ssettag $0x2  }
0x26: {  	s0 =	rddreg [dreg:$0x0];
	s2 =	stileid.u32  }
0x27: {  	s1 =	rddreg [dreg:$0x1];
	p0 =	sne.s32 s2, $0x0  }
0x28: {  	s3 =	rddreg [dreg:$0x2];
	[bflag:$0x3] =	sbarrier.arrive $0xFFFF;
	s2 =	simm.s32 @!p0 $0x1C01  }
0x29: {  	[timem:s3], [sflag:s2] =	dma.local @!p0 [hbm:s0], s1  }
0x2a: {  	s0 =	simm.s32 @!p0 $0x1  }
0x2b: {  	_ =	swait.ge @!p0 [sflag:s0], s1  }
0x2c: {  	s1 =	ssub.s32 @!p0 $0x0, s1;
	[sflag:s0] =	ssyncset.done @!p0 $0x0  }
0x2d: {  	[sflag:s0] =	ssyncadd.s32 @!p0 s1  }
0x2e: {  	[bflag:$0x3] =	sbarrier.arrive $0xFFFF  }
0x2f: {  	_ =	shalt  }

</sc_bundles>
